<compile_context>
chip_gen: v7x
topology: tpu7x:2x2x1
jax: 0.10.2.dev20260603
libtpu: 0.0.44.dev20260713+nightly
codegen_flags: <defaults>
</compile_context>

<pallas_src>
import functools

import jax
import jax.numpy as jnp
from jax import lax
from jax.experimental import pallas as pl
from jax.experimental.pallas import tpu as pltpu
from jax.experimental.pallas import tpu_sc as plsc

VOCAB = 100000
EMBED_DIM = 300
BATCH = 4096
SEQ_LEN = 200


ROW_BLK = 4096
NUM_BLKS = -(-VOCAB // ROW_BLK)
NUM_PAIRS = -(-NUM_BLKS // 2)


def _matvec_part(e_blk, w_ref):
    w8 = jnp.broadcast_to(w_ref[...], (8, EMBED_DIM))
    s8 = jax.lax.dot_general(
        w8, e_blk,
        dimension_numbers=(((1,), (1,)), ((), ())),
        preferred_element_type=jnp.float32,
    )
    return s8[0]


def _matvec_body(ea_ref, eb_ref, w_ref, b_ref, o_ref):
    scale = 1.0 / SEQ_LEN
    bias = b_ref[0, 0] * scale
    o_ref[:ROW_BLK] = _matvec_part(ea_ref[...], w_ref) * scale + bias
    o_ref[ROW_BLK:] = _matvec_part(eb_ref[...], w_ref) * scale + bias


def _matvec(e, w, b2):
    s_pad = pl.pallas_call(
        _matvec_body,
        grid=(NUM_PAIRS,),
        in_specs=[
            pl.BlockSpec((ROW_BLK, EMBED_DIM), lambda i: (2 * i, 0)),
            pl.BlockSpec(
                (ROW_BLK, EMBED_DIM),
                lambda i: (jnp.minimum(2 * i + 1, NUM_BLKS - 1), 0)),
            pl.BlockSpec((1, EMBED_DIM), lambda i: (0, 0)),
            pl.BlockSpec((1, 1), lambda i: (0, 0)),
        ],
        out_specs=pl.BlockSpec((2 * ROW_BLK,), lambda i: (i,)),
        out_shape=jax.ShapeDtypeStruct((NUM_PAIRS * 2 * ROW_BLK,), jnp.float32),
    )(e, e, w, b2)
    return s_pad



NUM_WORKERS = 32
BPW = BATCH // NUM_WORKERS
LANES = 16
GROUPS = BPW // LANES

@functools.cache
def _make_sc_bag():
    mesh = plsc.VectorSubcoreMesh(core_axis_name="c", subcore_axis_name="s")

    @functools.partial(
        pl.kernel,
        mesh=mesh,
        out_type=jax.ShapeDtypeStruct((BATCH,), jnp.float32),
    scratch_types=[
            pltpu.VMEM((VOCAB,), jnp.float32),
            pltpu.VMEM_SHARED((VOCAB,), jnp.float32),
            pltpu.VMEM((BPW // 2, SEQ_LEN), jnp.int32),
            pltpu.VMEM((BPW,), jnp.float32),
            pltpu.SemaphoreType.DMA,
            pltpu.SemaphoreType.DMA,
        ],
        compiler_params=pltpu.CompilerParams(
            use_tc_tiling_on_sc=False, needs_layout_passes=False),
    )
    def _sc_bag(s_hbm, idx_hbm, out_hbm, s_v, s_sh, idx_v, out_v, sem_s,
                sem_i):
        num_cores = 2
        sid = lax.axis_index("s")
        wid = sid * num_cores + lax.axis_index("c")
        base = wid * BPW
        cp_i = pltpu.make_async_copy(
            idx_hbm.at[pl.ds(base, BPW // 2), :], idx_v, sem_i)
        cp_i.start()
        @pl.when(sid == 0)
        def _():
            pltpu.sync_copy(s_hbm.at[pl.ds(0, VOCAB)], s_sh)
        plsc.subcore_barrier()
        cp_s = pltpu.make_async_copy(s_sh, s_v, sem_s)
        cp_s.start()
        cp_s.wait()
        cp_i.wait()

        half_groups = GROUPS // 2
        for half in range(2):
            for kk in range(half_groups):
                k = half * half_groups + kk
                rows = lax.iota(jnp.int32, LANES) + (kk * LANES)

                def body(l, acc):
                    cols = jnp.full((LANES,), l, jnp.int32)
                    iv = plsc.load_gather(idx_v, [rows, cols])
                    vals = plsc.load_gather(s_v, [iv])
                    return acc + vals

                acc = lax.fori_loop(
                    0, SEQ_LEN, body, jnp.zeros((LANES,), jnp.float32))
                out_v[pl.ds(k * LANES, LANES)] = acc
            if half == 0:
                pltpu.sync_copy(
                    idx_hbm.at[pl.ds(base + BPW // 2, BPW // 2), :], idx_v)

        pltpu.sync_copy(out_v, out_hbm.at[pl.ds(base, BPW)])

    return _sc_bag




@jax.jit
def kernel(input_words, embedding, fc1_w, fc1_b):
    b2 = fc1_b.reshape(1, 1)
    s = _matvec(embedding, fc1_w, b2)
    return _make_sc_bag()(s, input_words)

# --- scband reference (transcript-rebuilt; emitter-appended) ---
"""Pipeline reference for scband-base-sentiment-79456894976116 (READ-ONLY COPY).

The authoritative reference and input builder live on the scoring server;
editing this copy changes nothing except your own understanding.
"""

import jax, jax.numpy as jnp
import numpy as np

VOCAB = 100000
EMBED_DIM = 300
BATCH = 4096
SEQ_LEN = 200


def setup_inputs(seed: int = 0) -> dict:
    key = jax.random.key(seed)
    k1, k2, k3, k4 = jax.random.split(key, 4)
    input_words = jax.random.randint(k1, (BATCH, SEQ_LEN), 0, VOCAB, dtype=jnp.int32)
    embedding = jax.random.normal(k2, (VOCAB, EMBED_DIM), dtype=jnp.float32)
    fc1_w = jax.random.normal(k3, (1, EMBED_DIM), dtype=jnp.float32) * 0.05
    fc1_b = jax.random.normal(k4, (1,), dtype=jnp.float32) * 0.05
    return {"input_words": input_words, "embedding": embedding, "fc1_w": fc1_w, "fc1_b": fc1_b}


def reference(input_words, embedding, fc1_w, fc1_b):
    # nn.EmbeddingBag.from_pretrained(...) default mode='mean':
    # for 2D input [B, L], gather rows then mean over bag (axis=1).
    gathered = jnp.take(embedding, input_words, axis=0)  # [B, L, D]
    emb = jnp.mean(gathered, axis=1)                      # [B, D]
    # fc1: Linear(300, 1)
    res = emb @ fc1_w.T + fc1_b                           # [B, 1]
    return jnp.squeeze(res)                               # [B]

if __name__ == "__main__":
    import jax
    _d = setup_inputs()
    print(jax.jit(kernel)(*tuple(_d.values())))

</pallas_src>

<mosaic_0001>
#map = affine_map<(d0, d1) -> (0)>
#map1 = affine_map<(d0, d1) -> (0, 0)>
module attributes {stable_mosaic.version = 14 : i64} {
  func.func @_sc_bag(%arg0: i32, %arg1: i32, %arg2: memref<106496xf32, #tpu.memory_space<hbm>>, %arg3: memref<4096x200xi32, #tpu.memory_space<hbm>>, %arg4: memref<4096xf32, #tpu.memory_space<hbm>>, %arg5: memref<100000xf32, #tpu.memory_space<vmem>>, %arg6: memref<100000xf32, #tpu.memory_space<vmem_shared>>, %arg7: memref<64x200xi32, #tpu.memory_space<vmem>>, %arg8: memref<128xf32, #tpu.memory_space<vmem>>, %arg9: memref<!tpu.dma_semaphore, #tpu.memory_space<semaphore_mem>>, %arg10: memref<!tpu.dma_semaphore, #tpu.memory_space<semaphore_mem>>) attributes {dimension_semantics = [#tpu.dimension_semantics<core_parallel>, #tpu.dimension_semantics<subcore_parallel>], iteration_bounds = array<i64: 2, 16>, scalar_prefetch = 0 : i64, scratch_operands = 6 : i64, tpu.core_type = #tpu.core_type<sc_vector_subcore>, window_params = [{transform_indices = #map}, {transform_indices = #map1}, {transform_indices = #map}]} {
    %mul3A = arith.constant 2 : i32
    %mul3A_0 = arith.muli %arg1, %mul3A : i32
    %add3A = arith.addi %mul3A_0, %arg0 : i32
    %mul3A_1 = arith.constant 128 : i32
    %mul3A_2 = arith.muli %add3A, %mul3A_1 : i32
    %dma_start3A = arith.constant 0 : i32
    %dma_start3A_3 = tpu.memref_slice %arg3[%mul3A_2, %dma_start3A] : memref<4096x200xi32, #tpu.memory_space<hbm>> -> memref<64x200xi32, #tpu.memory_space<hbm>>
    %dma_start3A_4 = arith.constant 0 : i32
    %dma_start3A_5 = tpu.memref_slice %arg3[%mul3A_2, %dma_start3A_4] : memref<4096x200xi32, #tpu.memory_space<hbm>> -> memref<64x200xi32, #tpu.memory_space<hbm>>
    tpu.enqueue_dma source(%dma_start3A_5 : memref<64x200xi32, #tpu.memory_space<hbm>>) target(%arg7 : memref<64x200xi32, #tpu.memory_space<vmem>>) target_semaphore(%arg10 : memref<!tpu.dma_semaphore, #tpu.memory_space<semaphore_mem>>)
    %eq3A = arith.constant 0 : i32
    %eq3A_6 = arith.cmpi eq, %arg1, %eq3A : i32
    %convert_element_type3A = arith.extui %eq3A_6 : i1 to i32
    %cond3A = arith.constant 0 : i32
    %cond3A_7 = arith.cmpi ne, %convert_element_type3A, %cond3A : i32
    scf.if %cond3A_7 {
      "tpu.region"() ({
        %run_scoped3A = tpu.sem_alloc : memref<!tpu.dma_semaphore, #tpu.memory_space<semaphore_mem>>
        %dma_start3A_121 = arith.constant 0 : i32
        %dma_start3A_122 = tpu.memref_slice %arg2[%dma_start3A_121] : memref<106496xf32, #tpu.memory_space<hbm>> -> memref<100000xf32, #tpu.memory_space<hbm>>
        tpu.enqueue_dma source(%dma_start3A_122 : memref<100000xf32, #tpu.memory_space<hbm>>) target(%arg6 : memref<100000xf32, #tpu.memory_space<vmem_shared>>) target_semaphore(%run_scoped3A : memref<!tpu.dma_semaphore, #tpu.memory_space<semaphore_mem>>)
        %dma_wait3A_123 = arith.constant 0 : i32
        %dma_wait3A_124 = tpu.memref_slice %arg2[%dma_wait3A_123] : memref<106496xf32, #tpu.memory_space<hbm>> -> memref<100000xf32, #tpu.memory_space<hbm>>
        tpu.wait_dma2 semaphore(%run_scoped3A : memref<!tpu.dma_semaphore, #tpu.memory_space<semaphore_mem>>) src(%dma_wait3A_124 : memref<100000xf32, #tpu.memory_space<hbm>>) dst(%arg6 : memref<100000xf32, #tpu.memory_space<vmem_shared>>)
        tpu.yield
      }) : () -> ()
    } else {
    }
    %barrier3A = arith.constant 0 : index
    tpu.barrier barrier_id(%barrier3A)
    tpu.enqueue_dma source(%arg6 : memref<100000xf32, #tpu.memory_space<vmem_shared>>) target(%arg5 : memref<100000xf32, #tpu.memory_space<vmem>>) target_semaphore(%arg9 : memref<!tpu.dma_semaphore, #tpu.memory_space<semaphore_mem>>)
    tpu.wait_dma2 semaphore(%arg9 : memref<!tpu.dma_semaphore, #tpu.memory_space<semaphore_mem>>) src(%arg6 : memref<100000xf32, #tpu.memory_space<vmem_shared>>) dst(%arg5 : memref<100000xf32, #tpu.memory_space<vmem>>)
    %dma_wait3A = arith.constant 0 : i32
    %dma_wait3A_8 = tpu.memref_slice %arg3[%mul3A_2, %dma_wait3A] : memref<4096x200xi32, #tpu.memory_space<hbm>> -> memref<64x200xi32, #tpu.memory_space<hbm>>
    %dma_wait3A_9 = arith.constant 0 : i32
    %dma_wait3A_10 = tpu.memref_slice %arg3[%mul3A_2, %dma_wait3A_9] : memref<4096x200xi32, #tpu.memory_space<hbm>> -> memref<64x200xi32, #tpu.memory_space<hbm>>
    tpu.wait_dma2 semaphore(%arg10 : memref<!tpu.dma_semaphore, #tpu.memory_space<semaphore_mem>>) src(%dma_wait3A_10 : memref<64x200xi32, #tpu.memory_space<hbm>>) dst(%arg7 : memref<64x200xi32, #tpu.memory_space<vmem>>)
    %iota3A = tpu.iota {dimensions = array<i32: 0>} : vector<16xi32>
    %add3A_11 = arith.constant 0 : i32
    %add3A_12 = vector.broadcast %add3A_11 : i32 to vector<16xi32>
    %add3A_13 = arith.addi %iota3A, %add3A_12 : vector<16xi32>
    %broadcast_in_dim3A = arith.constant 0.000000e+00 : f32
    %broadcast_in_dim3A_14 = vector.broadcast %broadcast_in_dim3A : f32 to vector<16xf32>
    %scan3A = arith.constant 0 : i32
    %scan3A_15 = arith.constant 200 : i32
    %scan3A_16 = arith.addi %scan3A, %scan3A_15 : i32
    %scan3A_17 = arith.constant 1 : i32
    %scan3A_18 = scf.for %scan3A_121 = %scan3A to %scan3A_16 step %scan3A_17 iter_args(%scan3A_122 = %broadcast_in_dim3A_14) -> (vector<16xf32>)  : i32 {
      %broadcast_in_dim3A_123 = vector.broadcast %scan3A_121 : i32 to vector<16xi32>
      %gather3A = tpu.vector_load_idx %arg7[%add3A_13, %broadcast_in_dim3A_123] : memref<64x200xi32, #tpu.memory_space<vmem>>[vector<16xi32>, vector<16xi32>], vector<16xi32>,
      %gather3A_124 = tpu.vector_load_idx %arg5[%gather3A] : memref<100000xf32, #tpu.memory_space<vmem>>[vector<16xi32>], vector<16xf32>,
      %add3A_125 = arith.addf %scan3A_122, %gather3A_124 : vector<16xf32>
      scf.yield %add3A_125 : vector<16xf32>
    }
    %scan3A_19 = arith.constant 200 : i32
    %swap3A = arith.constant 0 : index
    %swap3A_20 = tpu.vector_load %arg8[%swap3A] {strides = array<i32>} : memref<128xf32, #tpu.memory_space<vmem>>, vector<16xf32>,
    tpu.vector_store %arg8[%swap3A], %scan3A_18 {strides = array<i32>} : memref<128xf32, #tpu.memory_space<vmem>>, vector<16xf32>,
    %iota3A_21 = tpu.iota {dimensions = array<i32: 0>} : vector<16xi32>
    %add3A_22 = arith.constant 16 : i32
    %add3A_23 = vector.broadcast %add3A_22 : i32 to vector<16xi32>
    %add3A_24 = arith.addi %iota3A_21, %add3A_23 : vector<16xi32>
    %broadcast_in_dim3A_25 = arith.constant 0.000000e+00 : f32
    %broadcast_in_dim3A_26 = vector.broadcast %broadcast_in_dim3A_25 : f32 to vector<16xf32>
    %scan3A_27 = arith.constant 0 : i32
    %scan3A_28 = arith.constant 200 : i32
    %scan3A_29 = arith.addi %scan3A_27, %scan3A_28 : i32
    %scan3A_30 = arith.constant 1 : i32
    %scan3A_31 = scf.for %scan3A_121 = %scan3A_27 to %scan3A_29 step %scan3A_30 iter_args(%scan3A_122 = %broadcast_in_dim3A_26) -> (vector<16xf32>)  : i32 {
      %broadcast_in_dim3A_123 = vector.broadcast %scan3A_121 : i32 to vector<16xi32>
      %gather3A = tpu.vector_load_idx %arg7[%add3A_24, %broadcast_in_dim3A_123] : memref<64x200xi32, #tpu.memory_space<vmem>>[vector<16xi32>, vector<16xi32>], vector<16xi32>,
      %gather3A_124 = tpu.vector_load_idx %arg5[%gather3A] : memref<100000xf32, #tpu.memory_space<vmem>>[vector<16xi32>], vector<16xf32>,
      %add3A_125 = arith.addf %scan3A_122, %gather3A_124 : vector<16xf32>
      scf.yield %add3A_125 : vector<16xf32>
    }
    %scan3A_32 = arith.constant 200 : i32
    %swap3A_33 = arith.constant 16 : index
    %swap3A_34 = tpu.vector_load %arg8[%swap3A_33] {strides = array<i32>} : memref<128xf32, #tpu.memory_space<vmem>>, vector<16xf32>,
    tpu.vector_store %arg8[%swap3A_33], %scan3A_31 {strides = array<i32>} : memref<128xf32, #tpu.memory_space<vmem>>, vector<16xf32>,
    %iota3A_35 = tpu.iota {dimensions = array<i32: 0>} : vector<16xi32>
    %add3A_36 = arith.constant 32 : i32
    %add3A_37 = vector.broadcast %add3A_36 : i32 to vector<16xi32>
    %add3A_38 = arith.addi %iota3A_35, %add3A_37 : vector<16xi32>
    %broadcast_in_dim3A_39 = arith.constant 0.000000e+00 : f32
    %broadcast_in_dim3A_40 = vector.broadcast %broadcast_in_dim3A_39 : f32 to vector<16xf32>
    %scan3A_41 = arith.constant 0 : i32
    %scan3A_42 = arith.constant 200 : i32
    %scan3A_43 = arith.addi %scan3A_41, %scan3A_42 : i32
    %scan3A_44 = arith.constant 1 : i32
    %scan3A_45 = scf.for %scan3A_121 = %scan3A_41 to %scan3A_43 step %scan3A_44 iter_args(%scan3A_122 = %broadcast_in_dim3A_40) -> (vector<16xf32>)  : i32 {
      %broadcast_in_dim3A_123 = vector.broadcast %scan3A_121 : i32 to vector<16xi32>
      %gather3A = tpu.vector_load_idx %arg7[%add3A_38, %broadcast_in_dim3A_123] : memref<64x200xi32, #tpu.memory_space<vmem>>[vector<16xi32>, vector<16xi32>], vector<16xi32>,
      %gather3A_124 = tpu.vector_load_idx %arg5[%gather3A] : memref<100000xf32, #tpu.memory_space<vmem>>[vector<16xi32>], vector<16xf32>,
      %add3A_125 = arith.addf %scan3A_122, %gather3A_124 : vector<16xf32>
      scf.yield %add3A_125 : vector<16xf32>
    }
    %scan3A_46 = arith.constant 200 : i32
    %swap3A_47 = arith.constant 32 : index
    %swap3A_48 = tpu.vector_load %arg8[%swap3A_47] {strides = array<i32>} : memref<128xf32, #tpu.memory_space<vmem>>, vector<16xf32>,
    tpu.vector_store %arg8[%swap3A_47], %scan3A_45 {strides = array<i32>} : memref<128xf32, #tpu.memory_space<vmem>>, vector<16xf32>,
    %iota3A_49 = tpu.iota {dimensions = array<i32: 0>} : vector<16xi32>
    %add3A_50 = arith.constant 48 : i32
    %add3A_51 = vector.broadcast %add3A_50 : i32 to vector<16xi32>
    %add3A_52 = arith.addi %iota3A_49, %add3A_51 : vector<16xi32>
    %broadcast_in_dim3A_53 = arith.constant 0.000000e+00 : f32
    %broadcast_in_dim3A_54 = vector.broadcast %broadcast_in_dim3A_53 : f32 to vector<16xf32>
    %scan3A_55 = arith.constant 0 : i32
    %scan3A_56 = arith.constant 200 : i32
    %scan3A_57 = arith.addi %scan3A_55, %scan3A_56 : i32
    %scan3A_58 = arith.constant 1 : i32
    %scan3A_59 = scf.for %scan3A_121 = %scan3A_55 to %scan3A_57 step %scan3A_58 iter_args(%scan3A_122 = %broadcast_in_dim3A_54) -> (vector<16xf32>)  : i32 {
      %broadcast_in_dim3A_123 = vector.broadcast %scan3A_121 : i32 to vector<16xi32>
      %gather3A = tpu.vector_load_idx %arg7[%add3A_52, %broadcast_in_dim3A_123] : memref<64x200xi32, #tpu.memory_space<vmem>>[vector<16xi32>, vector<16xi32>], vector<16xi32>,
      %gather3A_124 = tpu.vector_load_idx %arg5[%gather3A] : memref<100000xf32, #tpu.memory_space<vmem>>[vector<16xi32>], vector<16xf32>,
      %add3A_125 = arith.addf %scan3A_122, %gather3A_124 : vector<16xf32>
      scf.yield %add3A_125 : vector<16xf32>
    }
    %scan3A_60 = arith.constant 200 : i32
    %swap3A_61 = arith.constant 48 : index
    %swap3A_62 = tpu.vector_load %arg8[%swap3A_61] {strides = array<i32>} : memref<128xf32, #tpu.memory_space<vmem>>, vector<16xf32>,
    tpu.vector_store %arg8[%swap3A_61], %scan3A_59 {strides = array<i32>} : memref<128xf32, #tpu.memory_space<vmem>>, vector<16xf32>,
    %add3A_63 = arith.constant 64 : i32
    %add3A_64 = arith.addi %mul3A_2, %add3A_63 : i32
    "tpu.region"() ({
      %run_scoped3A = tpu.sem_alloc : memref<!tpu.dma_semaphore, #tpu.memory_space<semaphore_mem>>
      %dma_start3A_121 = arith.constant 0 : i32
      %dma_start3A_122 = tpu.memref_slice %arg3[%add3A_64, %dma_start3A_121] : memref<4096x200xi32, #tpu.memory_space<hbm>> -> memref<64x200xi32, #tpu.memory_space<hbm>>
      %dma_start3A_123 = arith.constant 0 : i32
      %dma_start3A_124 = tpu.memref_slice %arg3[%add3A_64, %dma_start3A_123] : memref<4096x200xi32, #tpu.memory_space<hbm>> -> memref<64x200xi32, #tpu.memory_space<hbm>>
      tpu.enqueue_dma source(%dma_start3A_124 : memref<64x200xi32, #tpu.memory_space<hbm>>) target(%arg7 : memref<64x200xi32, #tpu.memory_space<vmem>>) target_semaphore(%run_scoped3A : memref<!tpu.dma_semaphore, #tpu.memory_space<semaphore_mem>>)
      %dma_wait3A_125 = arith.constant 0 : i32
      %dma_wait3A_126 = tpu.memref_slice %arg3[%add3A_64, %dma_wait3A_125] : memref<4096x200xi32, #tpu.memory_space<hbm>> -> memref<64x200xi32, #tpu.memory_space<hbm>>
      %dma_wait3A_127 = arith.constant 0 : i32
      %dma_wait3A_128 = tpu.memref_slice %arg3[%add3A_64, %dma_wait3A_127] : memref<4096x200xi32, #tpu.memory_space<hbm>> -> memref<64x200xi32, #tpu.memory_space<hbm>>
      tpu.wait_dma2 semaphore(%run_scoped3A : memref<!tpu.dma_semaphore, #tpu.memory_space<semaphore_mem>>) src(%dma_wait3A_128 : memref<64x200xi32, #tpu.memory_space<hbm>>) dst(%arg7 : memref<64x200xi32, #tpu.memory_space<vmem>>)
      tpu.yield
    }) : () -> ()
    %iota3A_65 = tpu.iota {dimensions = array<i32: 0>} : vector<16xi32>
    %add3A_66 = arith.constant 0 : i32
    %add3A_67 = vector.broadcast %add3A_66 : i32 to vector<16xi32>
    %add3A_68 = arith.addi %iota3A_65, %add3A_67 : vector<16xi32>
    %broadcast_in_dim3A_69 = arith.constant 0.000000e+00 : f32
    %broadcast_in_dim3A_70 = vector.broadcast %broadcast_in_dim3A_69 : f32 to vector<16xf32>
    %scan3A_71 = arith.constant 0 : i32
    %scan3A_72 = arith.constant 200 : i32
    %scan3A_73 = arith.addi %scan3A_71, %scan3A_72 : i32
    %scan3A_74 = arith.constant 1 : i32
    %scan3A_75 = scf.for %scan3A_121 = %scan3A_71 to %scan3A_73 step %scan3A_74 iter_args(%scan3A_122 = %broadcast_in_dim3A_70) -> (vector<16xf32>)  : i32 {
      %broadcast_in_dim3A_123 = vector.broadcast %scan3A_121 : i32 to vector<16xi32>
      %gather3A = tpu.vector_load_idx %arg7[%add3A_68, %broadcast_in_dim3A_123] : memref<64x200xi32, #tpu.memory_space<vmem>>[vector<16xi32>, vector<16xi32>], vector<16xi32>,
      %gather3A_124 = tpu.vector_load_idx %arg5[%gather3A] : memref<100000xf32, #tpu.memory_space<vmem>>[vector<16xi32>], vector<16xf32>,
      %add3A_125 = arith.addf %scan3A_122, %gather3A_124 : vector<16xf32>
      scf.yield %add3A_125 : vector<16xf32>
    }
    %scan3A_76 = arith.constant 200 : i32
    %swap3A_77 = arith.constant 64 : index
    %swap3A_78 = tpu.vector_load %arg8[%swap3A_77] {strides = array<i32>} : memref<128xf32, #tpu.memory_space<vmem>>, vector<16xf32>,
    tpu.vector_store %arg8[%swap3A_77], %scan3A_75 {strides = array<i32>} : memref<128xf32, #tpu.memory_space<vmem>>, vector<16xf32>,
    %iota3A_79 = tpu.iota {dimensions = array<i32: 0>} : vector<16xi32>
    %add3A_80 = arith.constant 16 : i32
    %add3A_81 = vector.broadcast %add3A_80 : i32 to vector<16xi32>
    %add3A_82 = arith.addi %iota3A_79, %add3A_81 : vector<16xi32>
    %broadcast_in_dim3A_83 = arith.constant 0.000000e+00 : f32
    %broadcast_in_dim3A_84 = vector.broadcast %broadcast_in_dim3A_83 : f32 to vector<16xf32>
    %scan3A_85 = arith.constant 0 : i32
    %scan3A_86 = arith.constant 200 : i32
    %scan3A_87 = arith.addi %scan3A_85, %scan3A_86 : i32
    %scan3A_88 = arith.constant 1 : i32
    %scan3A_89 = scf.for %scan3A_121 = %scan3A_85 to %scan3A_87 step %scan3A_88 iter_args(%scan3A_122 = %broadcast_in_dim3A_84) -> (vector<16xf32>)  : i32 {
      %broadcast_in_dim3A_123 = vector.broadcast %scan3A_121 : i32 to vector<16xi32>
      %gather3A = tpu.vector_load_idx %arg7[%add3A_82, %broadcast_in_dim3A_123] : memref<64x200xi32, #tpu.memory_space<vmem>>[vector<16xi32>, vector<16xi32>], vector<16xi32>,
      %gather3A_124 = tpu.vector_load_idx %arg5[%gather3A] : memref<100000xf32, #tpu.memory_space<vmem>>[vector<16xi32>], vector<16xf32>,
      %add3A_125 = arith.addf %scan3A_122, %gather3A_124 : vector<16xf32>
      scf.yield %add3A_125 : vector<16xf32>
    }
    %scan3A_90 = arith.constant 200 : i32
    %swap3A_91 = arith.constant 80 : index
    %swap3A_92 = tpu.vector_load %arg8[%swap3A_91] {strides = array<i32>} : memref<128xf32, #tpu.memory_space<vmem>>, vector<16xf32>,
    tpu.vector_store %arg8[%swap3A_91], %scan3A_89 {strides = array<i32>} : memref<128xf32, #tpu.memory_space<vmem>>, vector<16xf32>,
    %iota3A_93 = tpu.iota {dimensions = array<i32: 0>} : vector<16xi32>
    %add3A_94 = arith.constant 32 : i32
    %add3A_95 = vector.broadcast %add3A_94 : i32 to vector<16xi32>
    %add3A_96 = arith.addi %iota3A_93, %add3A_95 : vector<16xi32>
    %broadcast_in_dim3A_97 = arith.constant 0.000000e+00 : f32
    %broadcast_in_dim3A_98 = vector.broadcast %broadcast_in_dim3A_97 : f32 to vector<16xf32>
    %scan3A_99 = arith.constant 0 : i32
    %scan3A_100 = arith.constant 200 : i32
    %scan3A_101 = arith.addi %scan3A_99, %scan3A_100 : i32
    %scan3A_102 = arith.constant 1 : i32
    %scan3A_103 = scf.for %scan3A_121 = %scan3A_99 to %scan3A_101 step %scan3A_102 iter_args(%scan3A_122 = %broadcast_in_dim3A_98) -> (vector<16xf32>)  : i32 {
      %broadcast_in_dim3A_123 = vector.broadcast %scan3A_121 : i32 to vector<16xi32>
      %gather3A = tpu.vector_load_idx %arg7[%add3A_96, %broadcast_in_dim3A_123] : memref<64x200xi32, #tpu.memory_space<vmem>>[vector<16xi32>, vector<16xi32>], vector<16xi32>,
      %gather3A_124 = tpu.vector_load_idx %arg5[%gather3A] : memref<100000xf32, #tpu.memory_space<vmem>>[vector<16xi32>], vector<16xf32>,
      %add3A_125 = arith.addf %scan3A_122, %gather3A_124 : vector<16xf32>
      scf.yield %add3A_125 : vector<16xf32>
    }
    %scan3A_104 = arith.constant 200 : i32
    %swap3A_105 = arith.constant 96 : index
    %swap3A_106 = tpu.vector_load %arg8[%swap3A_105] {strides = array<i32>} : memref<128xf32, #tpu.memory_space<vmem>>, vector<16xf32>,
    tpu.vector_store %arg8[%swap3A_105], %scan3A_103 {strides = array<i32>} : memref<128xf32, #tpu.memory_space<vmem>>, vector<16xf32>,
    %iota3A_107 = tpu.iota {dimensions = array<i32: 0>} : vector<16xi32>
    %add3A_108 = arith.constant 48 : i32
    %add3A_109 = vector.broadcast %add3A_108 : i32 to vector<16xi32>
    %add3A_110 = arith.addi %iota3A_107, %add3A_109 : vector<16xi32>
    %broadcast_in_dim3A_111 = arith.constant 0.000000e+00 : f32
    %broadcast_in_dim3A_112 = vector.broadcast %broadcast_in_dim3A_111 : f32 to vector<16xf32>
    %scan3A_113 = arith.constant 0 : i32
    %scan3A_114 = arith.constant 200 : i32
    %scan3A_115 = arith.addi %scan3A_113, %scan3A_114 : i32
    %scan3A_116 = arith.constant 1 : i32
    %scan3A_117 = scf.for %scan3A_121 = %scan3A_113 to %scan3A_115 step %scan3A_116 iter_args(%scan3A_122 = %broadcast_in_dim3A_112) -> (vector<16xf32>)  : i32 {
      %broadcast_in_dim3A_123 = vector.broadcast %scan3A_121 : i32 to vector<16xi32>
      %gather3A = tpu.vector_load_idx %arg7[%add3A_110, %broadcast_in_dim3A_123] : memref<64x200xi32, #tpu.memory_space<vmem>>[vector<16xi32>, vector<16xi32>], vector<16xi32>,
      %gather3A_124 = tpu.vector_load_idx %arg5[%gather3A] : memref<100000xf32, #tpu.memory_space<vmem>>[vector<16xi32>], vector<16xf32>,
      %add3A_125 = arith.addf %scan3A_122, %gather3A_124 : vector<16xf32>
      scf.yield %add3A_125 : vector<16xf32>
    }
    %scan3A_118 = arith.constant 200 : i32
    %swap3A_119 = arith.constant 112 : index
    %swap3A_120 = tpu.vector_load %arg8[%swap3A_119] {strides = array<i32>} : memref<128xf32, #tpu.memory_space<vmem>>, vector<16xf32>,
    tpu.vector_store %arg8[%swap3A_119], %scan3A_117 {strides = array<i32>} : memref<128xf32, #tpu.memory_space<vmem>>, vector<16xf32>,
    "tpu.region"() ({
      %run_scoped3A = tpu.sem_alloc : memref<!tpu.dma_semaphore, #tpu.memory_space<semaphore_mem>>
      %dma_start3A_121 = tpu.memref_slice %arg4[%mul3A_2] : memref<4096xf32, #tpu.memory_space<hbm>> -> memref<128xf32, #tpu.memory_space<hbm>>
      %dma_start3A_122 = tpu.memref_slice %arg4[%mul3A_2] : memref<4096xf32, #tpu.memory_space<hbm>> -> memref<128xf32, #tpu.memory_space<hbm>>
      tpu.enqueue_dma source(%arg8 : memref<128xf32, #tpu.memory_space<vmem>>) target(%dma_start3A_122 : memref<128xf32, #tpu.memory_space<hbm>>) target_semaphore(%run_scoped3A : memref<!tpu.dma_semaphore, #tpu.memory_space<semaphore_mem>>)
      %dma_wait3A_123 = tpu.memref_slice %arg4[%mul3A_2] : memref<4096xf32, #tpu.memory_space<hbm>> -> memref<128xf32, #tpu.memory_space<hbm>>
      %dma_wait3A_124 = tpu.memref_slice %arg4[%mul3A_2] : memref<4096xf32, #tpu.memory_space<hbm>> -> memref<128xf32, #tpu.memory_space<hbm>>
      tpu.wait_dma2 semaphore(%run_scoped3A : memref<!tpu.dma_semaphore, #tpu.memory_space<semaphore_mem>>) src(%arg8 : memref<128xf32, #tpu.memory_space<vmem>>) dst(%dma_wait3A_124 : memref<128xf32, #tpu.memory_space<hbm>>)
      tpu.yield
    }) : () -> ()
    return
  }
}

module attributes {stable_mosaic.version = 14 : i64} {
  func.func @_matvec_body(%arg0: i32, %arg1: memref<4096x300xf32, #tpu.memory_space<vmem>>, %arg2: memref<4096x300xf32, #tpu.memory_space<vmem>>, %arg3: memref<1x300xf32, #tpu.memory_space<vmem>>, %arg4: memref<1x1xf32, #tpu.memory_space<vmem>>, %arg5: memref<8192xf32, #tpu.memory_space<vmem>>) attributes {dimension_semantics = [#tpu.dimension_semantics<arbitrary>], iteration_bounds = array<i64: 13>, scalar_prefetch = 0 : i64, scratch_operands = 0 : i64, tpu.core_type = #tpu.core_type<tc>, window_params = [{transform_indices = @transform_0, window_bounds = array<i64: 4096, 300>}, {transform_indices = @transform_1, window_bounds = array<i64: 4096, 300>}, {pipeline_mode = #tpu.pipeline_mode<synchronous>, transform_indices = @transform_2, window_bounds = array<i64: 1, 300>}, {pipeline_mode = #tpu.pipeline_mode<synchronous>, transform_indices = @transform_3, window_bounds = array<i64: 1, 1>}, {transform_indices = @transform_4, window_bounds = array<i64: 8192>}]} {
    %get3A = arith.constant 0 : index
    %get3A_0 = arith.constant 0 : index
    %get3A_1 = vector.load %arg4[%get3A, %get3A_0] : memref<1x1xf32, #tpu.memory_space<vmem>>, vector<1x1xf32>
    %get3A_2 = vector.extract %get3A_1[0, 0] : f32 from vector<1x1xf32>
    %mul3A = arith.constant 5.000000e-03 : f32
    %mul3A_3 = arith.mulf %get3A_2, %mul3A : f32
    %get3A_4 = arith.constant 0 : index
    %get3A_5 = arith.constant 0 : index
    %get3A_6 = vector.load %arg1[%get3A_4, %get3A_5] : memref<4096x300xf32, #tpu.memory_space<vmem>>, vector<4096x300xf32>
    %get3A_7 = arith.constant 0 : index
    %get3A_8 = arith.constant 0 : index
    %get3A_9 = vector.load %arg3[%get3A_7, %get3A_8] : memref<1x300xf32, #tpu.memory_space<vmem>>, vector<1x300xf32>
    %broadcast_in_dim3A = vector.shape_cast %get3A_9 : vector<1x300xf32> to vector<1x300xf32>
    %broadcast_in_dim3A_10 = vector.broadcast %broadcast_in_dim3A : vector<1x300xf32> to vector<8x300xf32>
    %dot_general3A = arith.constant dense<0.000000e+00> : vector<8x4096xf32>
    %dot_general3A_11 = tpu.matmul %broadcast_in_dim3A_10, %get3A_6, %dot_general3A {dimension_numbers = #tpu.dot_dimension_numbers<[1], [1], [0], [0], [0, 0, 1, 0], [], []>, transpose_lhs_hint = false} : vector<8x300xf32>, vector<4096x300xf32>, vector<8x4096xf32> -> vector<8x4096xf32>
    %slice3A = vector.extract_strided_slice %dot_general3A_11 {offsets = [0, 0], sizes = [1, 4096], strides = [1, 1]} : vector<8x4096xf32> to vector<1x4096xf32>
    %squeeze3A = vector.shape_cast %slice3A : vector<1x4096xf32> to vector<4096xf32>
    %mul3A_12 = arith.constant 5.000000e-03 : f32
    %mul3A_13 = vector.broadcast %mul3A_12 : f32 to vector<4096xf32>
    %mul3A_14 = arith.mulf %squeeze3A, %mul3A_13 : vector<4096xf32>
    %add3A = vector.broadcast %mul3A_3 : f32 to vector<4096xf32>
    %add3A_15 = arith.addf %mul3A_14, %add3A : vector<4096xf32>
    %swap3A = arith.constant 0 : index
    %swap3A_16 = vector.load %arg5[%swap3A] : memref<8192xf32, #tpu.memory_space<vmem>>, vector<4096xf32>
    tpu.vector_store %arg5[%swap3A], %add3A_15 {strides = array<i32>} : memref<8192xf32, #tpu.memory_space<vmem>>, vector<4096xf32>,
    %get3A_17 = arith.constant 0 : index
    %get3A_18 = arith.constant 0 : index
    %get3A_19 = vector.load %arg2[%get3A_17, %get3A_18] : memref<4096x300xf32, #tpu.memory_space<vmem>>, vector<4096x300xf32>
    %get3A_20 = arith.constant 0 : index
    %get3A_21 = arith.constant 0 : index
    %get3A_22 = vector.load %arg3[%get3A_20, %get3A_21] : memref<1x300xf32, #tpu.memory_space<vmem>>, vector<1x300xf32>
    %broadcast_in_dim3A_23 = vector.shape_cast %get3A_22 : vector<1x300xf32> to vector<1x300xf32>
    %broadcast_in_dim3A_24 = vector.broadcast %broadcast_in_dim3A_23 : vector<1x300xf32> to vector<8x300xf32>
    %dot_general3A_25 = arith.constant dense<0.000000e+00> : vector<8x4096xf32>
    %dot_general3A_26 = tpu.matmul %broadcast_in_dim3A_24, %get3A_19, %dot_general3A_25 {dimension_numbers = #tpu.dot_dimension_numbers<[1], [1], [0], [0], [0, 0, 1, 0], [], []>, transpose_lhs_hint = false} : vector<8x300xf32>, vector<4096x300xf32>, vector<8x4096xf32> -> vector<8x4096xf32>
    %slice3A_27 = vector.extract_strided_slice %dot_general3A_26 {offsets = [0, 0], sizes = [1, 4096], strides = [1, 1]} : vector<8x4096xf32> to vector<1x4096xf32>
    %squeeze3A_28 = vector.shape_cast %slice3A_27 : vector<1x4096xf32> to vector<4096xf32>
    %mul3A_29 = arith.constant 5.000000e-03 : f32
    %mul3A_30 = vector.broadcast %mul3A_29 : f32 to vector<4096xf32>
    %mul3A_31 = arith.mulf %squeeze3A_28, %mul3A_30 : vector<4096xf32>
    %add3A_32 = vector.broadcast %mul3A_3 : f32 to vector<4096xf32>
    %add3A_33 = arith.addf %mul3A_31, %add3A_32 : vector<4096xf32>
    %swap3A_34 = arith.constant 4096 : index
    %swap3A_35 = vector.load %arg5[%swap3A_34] : memref<8192xf32, #tpu.memory_space<vmem>>, vector<4096xf32>
    tpu.vector_store %arg5[%swap3A_34], %add3A_33 {strides = array<i32>} : memref<8192xf32, #tpu.memory_space<vmem>>, vector<4096xf32>,
    return
  }
  func.func @transform_0(%arg0: i32) -> (i32, i32) {
    %mul3A = arith.constant 2 : i32
    %mul3A_0 = arith.muli %mul3A, %arg0 : i32
    %c0_i32 = arith.constant 0 : i32
    %c0_i32_1 = arith.constant 0 : i32
    return %mul3A_0, %c0_i32 : i32, i32
  }
  func.func @transform_1(%arg0: i32) -> (i32, i32) {
    %mul3A = arith.constant 2 : i32
    %mul3A_0 = arith.muli %mul3A, %arg0 : i32
    %add3A = arith.constant 1 : i32
    %add3A_1 = arith.addi %mul3A_0, %add3A : i32
    %min3A = arith.constant 24 : i32
    %min3A_2 = arith.minsi %add3A_1, %min3A : i32
    %c0_i32 = arith.constant 0 : i32
    %c0_i32_3 = arith.constant 0 : i32
    return %min3A_2, %c0_i32 : i32, i32
  }
  func.func @transform_2(%arg0: i32) -> (i32, i32) {
    %c0_i32 = arith.constant 0 : i32
    %c0_i32_0 = arith.constant 0 : i32
    %c0_i32_1 = arith.constant 0 : i32
    return %c0_i32, %c0_i32_0 : i32, i32
  }
  func.func @transform_3(%arg0: i32) -> (i32, i32) {
    %c0_i32 = arith.constant 0 : i32
    %c0_i32_0 = arith.constant 0 : i32
    %c0_i32_1 = arith.constant 0 : i32
    return %c0_i32, %c0_i32_0 : i32, i32
  }
  func.func @transform_4(%arg0: i32) -> i32 {
    %c0_i32 = arith.constant 0 : i32
    return %arg0 : i32
  }
}

</mosaic_0001>

<sc_bundles>
// kernel: kernel.4.cloned.1.call-start
scs
__scs_entry_jumppad:
0x0: {  	(pc) =	sbr.rel $0x88, $3  }
0x1: {  	(tag) =	ssettag $0x0;
	lr =	simm.s32 $0x1  }
0x2: {  	[smem:$0x3F9D] =	sst lr;
	_ =	strace $0xD0000000  }
0x3: {  	_ = 	snop  }
0x4: {  	_ = 	snop  }
0x5: {  	_ = 	snop  }
0x6: {  	_ = 	snop  }
0x7: {  	_ = 	snop  }
__scs_overlays_trampoline_lowered:
0x8: {  	[smem:$0x3FAC] =	sst s0  }
0x9: {  	[smem:$0x3FAD] =	sst s1  }
0xa: {  	[smem:$0x3FAE] =	sst s2  }
0xb: {  	[smem:$0x3FAF] =	sst s3  }
0xc: {  	[smem:$0x3FB0] =	sst s4  }
0xd: {  	[smem:$0x3FB1] =	sst s5  }
0xe: {  	[smem:$0x3FB2] =	sst s6  }
0xf: {  	[smem:$0x3FB3] =	sst s7  }
0x10: {  	[smem:$0x3FB4] =	sst s8  }
0x11: {  	[smem:$0x3FB5] =	sst s9;
	s0 =	simm.s32 @!p0 $0x0  }
0x12: {  	s1 =	sld [smem:$0x3F9B];
	s0 =	simm.s32 @p0 $0x1  }
0x13: {  	[smem:$0x3FB6] =	sst s0;
	s0 =	simm.s32 @!p1 $0x0  }
0x14: {  	s2 =	sld [smem:$0x3F9A];
	s0 =	simm.s32 @p1 $0x1  }
0x15: {  	[smem:$0x3FB7] =	sst s0;
	s0 =	simm.s32 @!p2 $0x0  }
0x16: {  	s3 =	sld [smem:$0x3FDB];
	s0 =	simm.s32 @p2 $0x1  }
0x17: {  	s4 =	simm.s32 $0x1BF5;
	[smem:$0x3FB9] =	sst s0  }
0x18: {  	s0 =	sld [smem:$0x3F9C];
	_ =	swait.ge [sflag:s4], $0x0  }
0x19: {  	s7 =	sld [smem:$0x3F9D]  }
0x1a: {  	s8 =	sadd.s32 $0xFFFFE003, lr  }
0x1b: {  	s9 =	sadd.s32 $0xFFFFFEF7, lr;
	s5 =	simm.s32 $0xFFFFFFFF;
	p2 =	slt.u32 s8, $0xFFFFF086  }
0x1c: {  	p1 =	slt.u32 s9, $0xF7A;
	s5 =	simm.s32 @!p2 $0x0  }
0x1d: {  	s5 =	simm.s32 @p1 $0x1;
	p0 =	seq.s32 s7, s2  }
0x1e: {  	s7 =	smul.u32 @!p0 $0xF7A, s2;
	p2 =	seq.s32 @!p0 s5, $0x0  }
0x1f: {  	s9 =	smul.u32 $0xF7A, s1;
	s8 =	simm.s32 @!p0 $0x1BF5;
	p2 =	por !p2, p0  }
0x20: {  	[sflag:s8] =	ssyncset.s32 @!p0 $0xFFFFF086;
	s6 =	sadd.s32 @!p0 s3, s7;
	s7 =	simm.s32 @!p0 $0x108  }
0x21: {  	s3 =	sadd.s32 s3, s9;
	s6 =	sadd.s32 @!p0 $0x88, s6;
	s7 =	simm.s32 @p2 $0x1082  }
0x22: {  	[simem:s7], [sflag:s8] =	dma.local @!p0 [hbm:s6], $0xF7A  }
0x23: {  	s9 =	sor.u32 $0xD0000000, s2;
	s6 =	simm.s32 $0x108;
	_ =	swait.ge @!p0 [sflag:s8], $0x0  }
0x24: {  	s3 =	sadd.s32 $0x88, s3;
	s6 =	simm.s32 @!p1 $0x1082;
	[sflag:s4] =	ssyncset.s32 $0xFFFFF086  }
0x25: {  	[simem:s6], [sflag:s4] =	dma.local [hbm:s3], $0xF7A  }
0x26: {  	[smem:$0x3F9D] =	sst s1;
	(tag) =	ssettag s2;
	_ =	strace s9  }
0x27: {  	s1 =	sld [smem:$0x3FAD]  }
0x28: {  	s2 =	sld [smem:$0x3FAE]  }
0x29: {  	s4 =	sld [smem:$0x3FB0]  }
0x2a: {  	p0 =	seq.s32 s5, $0x0;
	s5 =	sld [smem:$0x3FB1]  }
0x2b: {  	s6 =	sld [smem:$0x3FB2]  }
0x2c: {  	s7 =	sld [smem:$0x3FB3]  }
0x2d: {  	s3 =	simm.s32 $0x108;
	s8 =	sld [smem:$0x3FB4]  }
0x2e: {  	s3 =	simm.s32 @!p0 $0x1082;
	s9 =	sld [smem:$0x3FB5]  }
0x2f: {  	lr =	sadd.s32 s0, s3;
	s0 =	sld [smem:$0x3FAC]  }
0x30: {  	s3 =	sld [smem:$0x3FAF]  }
0x31: {  	[smem:$0x3FB8] =	sst s10  }
0x32: {  	s10 =	sld [smem:$0x3FB6];
	_ =	sdelay $0x3  }
0x33: {  	p0 =	seq.s32 s10, $0x1;
	s10 =	sld [smem:$0x3FB8];
	_ =	sdelay $0x3  }
0x34: {  	[smem:$0x3FB8] =	sst s10  }
0x35: {  	s10 =	sld [smem:$0x3FB7];
	_ =	sdelay $0x3  }
0x36: {  	p1 =	seq.s32 s10, $0x1;
	s10 =	sld [smem:$0x3FB8];
	_ =	sdelay $0x3  }
0x37: {  	[smem:$0x3FB8] =	sst s10  }
0x38: {  	s10 =	sld [smem:$0x3FB9]  }
0x39: {  	_ = 	snop;
	(pc) =	sbr.ind lr, $3  }
0x3a: {  	_ = 	snop  }
0x3b: {  	_ = 	snop  }
0x3c: {  	p2 =	seq.s32 s10, $0x1;
	s10 =	sld [smem:$0x3FB8]  }
0x3d: {  	_ =	shalt  }
0x3e: {  	_ =	shalt  }
0x3f: {  	_ =	shalt  }
0x40: {  	_ =	shalt  }
0x41: {  	_ =	shalt  }
0x42: {  	_ =	shalt  }
0x43: {  	_ =	shalt  }
0x44: {  	_ =	shalt  }
0x45: {  	_ =	shalt  }
0x46: {  	_ =	shalt  }
0x47: {  	_ =	shalt  }
0x48: {  	_ =	shalt  }
0x49: {  	_ =	shalt  }
0x4a: {  	_ =	shalt  }
0x4b: {  	_ =	shalt  }
0x4c: {  	_ =	shalt  }
0x4d: {  	_ =	shalt  }
0x4e: {  	_ =	shalt  }
0x4f: {  	_ =	shalt  }
0x50: {  	_ =	shalt  }
0x51: {  	_ =	shalt  }
0x52: {  	_ =	shalt  }
0x53: {  	_ =	shalt  }
0x54: {  	_ =	shalt  }
0x55: {  	_ =	shalt  }
0x56: {  	_ =	shalt  }
0x57: {  	_ =	shalt  }
0x58: {  	_ =	shalt  }
0x59: {  	_ =	shalt  }
0x5a: {  	_ =	shalt  }
0x5b: {  	_ =	shalt  }
0x5c: {  	_ =	shalt  }
0x5d: {  	_ =	shalt  }
0x5e: {  	_ =	shalt  }
0x5f: {  	_ =	shalt  }
0x60: {  	_ =	shalt  }
0x61: {  	_ =	shalt  }
0x62: {  	_ =	shalt  }
0x63: {  	_ =	shalt  }
0x64: {  	_ =	shalt  }
0x65: {  	_ =	shalt  }
0x66: {  	_ =	shalt  }
0x67: {  	_ =	shalt  }
0x68: {  	_ =	shalt  }
0x69: {  	_ =	shalt  }
0x6a: {  	_ =	shalt  }
0x6b: {  	_ =	shalt  }
0x6c: {  	_ =	shalt  }
0x6d: {  	_ =	shalt  }
0x6e: {  	_ =	shalt  }
0x6f: {  	_ =	shalt  }
0x70: {  	_ =	shalt  }
0x71: {  	_ =	shalt  }
0x72: {  	_ =	shalt  }
0x73: {  	_ =	shalt  }
0x74: {  	_ =	shalt  }
0x75: {  	_ =	shalt  }
0x76: {  	_ =	shalt  }
0x77: {  	_ =	shalt  }
0x78: {  	_ =	shalt  }
0x79: {  	_ =	shalt  }
0x7a: {  	_ =	shalt  }
0x7b: {  	_ =	shalt  }
0x7c: {  	_ =	shalt  }
0x7d: {  	_ =	shalt  }
0x7e: {  	_ =	shalt  }
0x7f: {  	_ =	shalt  }
0x80: {  	_ =	shalt  }
0x81: {  	_ =	shalt  }
0x82: {  	_ =	shalt  }
0x83: {  	_ =	shalt  }
0x84: {  	_ =	shalt  }
0x85: {  	_ =	shalt  }
0x86: {  	_ =	shalt  }
0x87: {  	_ =	shalt  }
.Lfunc_end0:
.L_simem_size_0:
called_computation_lowered:
.L_overlay_start_0:
0x88: {  	s2 =	sld [smem:$0x3FD9]  }
0x89: {  	s3 =	sld [smem:$0x3FFE];
	_ =	sdelay $0x1  }
0x8a: {  	s1 =	srdreg.scid  }
0x8b: {  	s0 =	sand.u32 $0x1, s1  }
0x8c: {  	s17 =	sshll.u32 s0, $0xA;
	s2 =	sadd.s32 s3, s2  }
0x8d: {  	s2 =	sadd.s32 s2, s17  }
0x8e: {  	[smem:$0x3FC4] =	sst s2  }
0x8f: {  	_ = 	snop  }
0x90: {  	s2 =	sld [smem:$0x3FD0];
	(tm) =	ssettm $0x1  }
0x91: {  	s18 =	sld [smem:$0x3FFB];
	_ =	sdelay $0x3  }
0x92: {  	_ =	strace s18  }
0x93: {  	s3 =	sld [smem:$0x3FFC];
	_ =	sdelay $0x3  }
0x94: {  	_ =	strace s3  }
0x95: {  	s3 =	sld [smem:$0x3FFD];
	_ =	sdelay $0x3  }
0x96: {  	_ =	strace s3  }
0x97: {  	_ =	strace $0x8FFFFFFF  }
0x98: {  	s19 =	sld [smem:$0x3FDB];
	_ =	sdelay $0x1  }
0x99: {  	s4 =	simm.s32 $_scs_section_size  }
0x9a: {  	s5 =	simm.s32 $_size__tile_overlayer_lowered;
	s6 =	simm.s32 $_tile_overlayer_lowered  }
0x9b: {  	s22 =	simm.s32 $0x1BFF;
	s21 =	sshll.u32 s6, $0x1;
	s3 =	sadd.s32 s4, s19  }
0x9c: {  	s7 =	simm.s32 $0x0;
	s20 =	sshll.u32 s5, $0x1;
	s5 =	sadd.s32 s21, s3  }
0x9d: {  	[timem:s7], [sflag:s22] =	dma.local [hbm:s5], s20  }
0x9e: {  	_ =	swait.ge [sflag:s22], s20  }
0x9f: {  	s4 =	ssub.s32 $0x0, s20;
	[sflag:s22] =	ssyncset.done $0x0  }
0xa0: {  	[sflag:s22] =	ssyncadd.s32 s4;
	_ =	sdelay $0x1  }
0xa1: {  	s23 =	simm.s32 $0x1B8B  }
0xa2: {  	_ =	swait.ge [sflag:s23], $0x1  }
0xa3: {  	[sflag:s23] =	ssyncset.done $0x0  }
0xa4: {  	s25 =	simm.s32 $0x1B8E;
	s24 =	sld [smem:$0x3FFE];
	[sflag:s23] =	ssyncadd.s32 $0xFFFFFFFF  }
0xa5: {  	s26 =	simm.s32 $execute0_lowered;
	[smem:$0x3FD2] =	sst s25  }
0xa6: {  	s5 =	sshll.u32 s26, $0x1;
	_ =	strace $0x80000046;
	[dreg:$0x1] =	wrdreg $0xFFFFFFFF  }
0xa7: {  	s28 =	simm.s32 $_size_execute0_lowered;
	s3 =	sadd.s32 s3, s5;
	[dreg:$0x0] =	wrdreg $0x0  }
0xa8: {  	s5 =	sshll.u32 s28, $0x1;
	[dreg:$0x2] =	wrdreg s3  }
0xa9: {  	[dreg:$0x3] =	wrdreg s5  }
0xaa: {  	[dreg:$0x4] =	wrdreg $0xC0  }
0xab: {  	_ =	task [dreg:s7], $0x5FFFF  }
0xac: {  	[dreg:$0x1] =	wrdreg $0xFFFFFFFF  }
0xad: {  	[dreg:$0x0] =	wrdreg $0x60  }
0xae: {  	[dreg:$0x2] =	wrdreg s24  }
0xaf: {  	[dreg:$0x3] =	wrdreg s2  }
0xb0: {  	[dreg:$0x4] =	wrdreg $0x186A00  }
0xb1: {  	[dreg:$0x5] =	wrdreg $0x9  }
0xb2: {  	_ =	task.clear_ibuf [dreg:s7], $0x6FFFF;
	_ =	strace $0x90000046  }
0xb3: {  	s29 =	simm.s32 $0x9;
	_ =	strace $0x80000048  }
0xb4: {  	_ =	swait.ge [sflag:s29], $0x1  }
0xb5: {  	[sflag:s29] =	ssyncadd.s32 $0xFFFFFFFF  }
0xb6: {  	_ =	strace $0x90000048  }
0xb7: {  	_ =	sfence  }
0xb8: {  	s30 =	sld [smem:$0x0];
	_ =	sdelay $0x2  }
0xb9: {  	s31 =	sshll.u32 s1, $0xD;
	s1 =	sshrl.u32 s1, $0x2  }
0xba: {  	s3 =	sand.u32 $0x4000, s31;
	s1 =	sadd.s32 s1, s30  }
0xbb: {  	s0 =	sor.u32 s3, s0;
	s1 =	sshll.u32 s1, $0x11  }
0xbc: {  	s0 =	sor.u32 s1, s0  }
0xbd: {  	s0 =	sadd.s32 $0x8F2B, s0  }
0xbe: {  	[sflag:s0] =	ssyncadd.remote.s32 $0x1  }
0xbf: {  	_ =	sfence.sel $0xFFFF  }
0xc0: {  	[dreg:$0x0] =	wrdreg $0xFFFFFFFF;
	(pc) =	sbr.abs _section_cstart, $3  }
0xc1: {  	[dreg:$0x1] =	wrdreg $0xFFFFFFFF  }
0xc2: {  	_ =	task.clear_ibuf [dreg:s7], $0x2FFFF;
	_ =	strace $0x9FFFFFFF  }
0xc3: {  	(tm) =	ssettm $0x7FFFFFFF  }
tec
execute0_lowered:
.L_overlay_start_1:
0x0: {  	(tag) =	ssettag $0x1  }
0x1: {  	s4 =	rddreg [dreg:$0x0]  }
0x2: {  	s6 =	rddreg [dreg:$0x1]  }
0x3: {  	s1 =	rddreg [dreg:$0x2]  }
0x4: {  	s2 =	srdreg.scid;
	s0 =	rddreg [dreg:$0x3]  }
0x5: {  	s8 =	stileid.u32;
	s12 =	simm.s32 $0x3;
	s13 =	simm.s32 $0x1D110  }
0x6: {  	s14 =	simm.s32 $0x0;
	s5 =	sand.u32 $0x1, s2;
	s2 =	simm.s32 $0x0  }
0x7: {  	s3 =	sshll.u32 s8, $0x8;
	p0 =	sne.s32 s8, $0x0;
	s8 =	simm.s32 $0x19F10  }
0x8: {  	s7 =	sshll.u32 s5, $0x7;
	[smem:$0x7FF] =	sst s2;
	s5 =	ssub.s32 $0x2, s5  }
0x9: {  	s7 =	sor.u32 s7, s3;
	_ =	strace $0x80000047;
	s3 =	sadd.s32 $0xA00, s4  }
0xa: {  	s4 =	sadd.s32 $0x494800, s4;
	s10 =	sshrl.u32 s5, $0x1;
	s9 =	smul.u32 $0xC8, s7  }
0xb: {  	v0 =	vlaneseq.u32;
	s11 =	smul.u32 $0x19, s7;
	s10 =	ssub.s32 s5, s10;
	s7 =	sshrl.u32 s7, $0x3  }
0xc: {  	v0 =	vmul.u32 $0xC8, v0;
	s6 =	sadd.s32 s6, s7;
	s7 =	smax.u32 s10, $0x1;
	s9 =	sshrl.u32 s9, $0x3  }
0xd: {  	s10 =	simm.s32 $0x1;
	s31 =	sadd.s32 s4, s9;
	s4 =	sadd.s32 s4, s11  }
0xe: {  	v1 =	vadd.s32 $0xC80, v0;
	v2 =	vadd.s32 $0x1900, v0;
	v3 =	vadd.s32 $0x2580, v0;
	s9 =	sshrl.u32 @!p0 s1, $0x3;
	s11 =	simm.s32 $0x2;
	s5 =	sadd.s32 $0x640, s31  }
.LBB2_1:
0xf: {  	[tilespmem:s8], [sflag:$0x2] =	stream.linear.gather [hbm4b:s4+s2], $0x3200, $0x38;
	[tilespmem:$0x1D190] =	vst v63  }
0x10: {  	s15 =	simm.s32 @!p0 $0x1C03  }
0x11: {  	[spmem:s9], [sflag:s15] =	dma.local @!p0 [hbm:s3], $0x30D4  }
0x12: {  	s15 =	simm.s32 @!p0 $0x3  }
0x13: {  	_ =	swait.ge @!p0 [sflag:s15], $0x30D4  }
0x14: {  	[sflag:s15] =	ssyncset.done @!p0 $0x0  }
0x15: {  	[sflag:s15] =	ssyncadd.s32 @!p0 $0xFFFFCF2C  }
0x16: {  	[bflag:$0x0] =	sbarrier.arrive $0xFFFF  }
0x17: {  	v4 =	vmov s2;
	[tilespmem:s2], [sflag:$0x1] =	stream.linear.gather [spmem:s1], $0x186A0, $0x38;
	[tilespmem:$0x1D190] =	vst v63  }
0x18: {  	v4 =	vand.u32 $0xFF, v4;
	_ =	swait.ge [sflag:s10], $0x186A0  }
0x19: {  	v4 =	vadd.s32 v0, v4;
	[sflag:s10] =	ssyncset.done $0x0  }
0x1a: {  	[sflag:s10] =	ssyncadd.s32 $0xFFFE7960  }
0x1b: {  	_ =	swait.ge [sflag:s11], $0x3200  }
0x1c: {  	[sflag:s11] =	ssyncset.done $0x0  }
0x1d: {  	s30 =	simm.s32 $0x1;
	[sflag:s11] =	ssyncadd.s32 $0xFFFFCE00  }
0x1e: {  	v5 =	vmov s30;
	v4 =	vld.idx.msk [tilespmem:v4+s8+$0x0], $0xffff  }
0x1f: {  	v5 =	vand.u32 $0xFF, v5  }
0x20: {  	v6 =	vadd.s32 v0, v5;
	_ =	sdelay $0x4  }
0x21: {  	v6 =	vld.idx.msk [tilespmem:v6+s8+$0x0], $0xffff  }
0x22: {  	v5 =	vld.idx.msk [tilespmem:v4+s2+$0x0], $0xffff  }
0x23: {  	s31 =	simm.s32 $0x2  }
0x24: {  	v7 =	vmov s31;
	s15 =	simm.s32 $0x3;
	v4 =	vimm.f32 $0.0e+00  }
.LBB2_2:
0x25: {  	p1 =	sne.s32 s15, $0xC7;
	v7 =	vand.u32 $0xFF, v7  }
0x26: {  	v7 =	vadd.s32 v0, v7  }
0x27: {  	v4 =	vadd.f32 v5, v4;
	_ =	sdelay $0x1  }
.Ltmp0:
0x28: {  	(pc) =	sbr.rel @p1 .LBB2_2-.Ltmp0, $3  }
0x29: {  	v5 =	vld.idx.msk [tilespmem:v6+s2+$0x0], $0xffff  }
0x2a: {  	v6 =	vld.idx.msk [tilespmem:v7+s8+$0x0], $0xffff;
	_ =	sdelay $0x1  }
0x2b: {  	v7 =	vmov s15;
	s15 =	sadd.s32 $0x1, s15  }
0x2c: {  	v7 =	vand.u32 $0xFF, v7  }
0x2d: {  	v7 =	vadd.s32 v0, v7;
	_ =	sdelay $0x4  }
0x2e: {  	v7 =	vld.idx.msk [tilespmem:v7+s8+$0x0], $0xffff;
	_ =	sdelay $0x5  }
0x2f: {  	v6 =	vld.idx.msk [tilespmem:v6+s2+$0x0], $0xffff;
	_ =	sdelay $0x1  }
0x30: {  	s15 =	simm.s32 $0x0;
	v7 =	vld.idx.msk [tilespmem:v7+s2+$0x0], $0xffff  }
0x31: {  	v4 =	vadd.f32 v5, v4;
	v5 =	vmov s15  }
0x32: {  	v5 =	vand.u32 $0xFF, v5  }
0x33: {  	v5 =	vadd.s32 v1, v5;
	v4 =	vadd.f32 v6, v4;
	_ =	sdelay $0x1  }
0x34: {  	v4 =	vadd.f32 v7, v4;
	_ =	sdelay $0x1  }
0x35: {  	s30 =	simm.s32 $0x1;
	[tilespmem:$0x1D110] =	vst v4  }
0x36: {  	v4 =	vld.idx.msk [tilespmem:v5+s8+$0x0], $0xffff;
	v5 =	vmov s30  }
0x37: {  	v5 =	vand.u32 $0xFF, v5  }
0x38: {  	v6 =	vadd.s32 v1, v5;
	_ =	sdelay $0x4  }
0x39: {  	v6 =	vld.idx.msk [tilespmem:v6+s8+$0x0], $0xffff  }
0x3a: {  	v5 =	vld.idx.msk [tilespmem:v4+s2+$0x0], $0xffff  }
0x3b: {  	s31 =	simm.s32 $0x2  }
0x3c: {  	s15 =	simm.s32 $0x3;
	v7 =	vmov s31;
	v4 =	vimm.f32 $0.0e+00  }
.LBB2_4:
0x3d: {  	p1 =	sne.s32 s15, $0xC7;
	v7 =	vand.u32 $0xFF, v7  }
0x3e: {  	v7 =	vadd.s32 v1, v7  }
0x3f: {  	v4 =	vadd.f32 v5, v4;
	_ =	sdelay $0x1  }
.Ltmp1:
0x40: {  	(pc) =	sbr.rel @p1 .LBB2_4-.Ltmp1, $3  }
0x41: {  	v5 =	vld.idx.msk [tilespmem:v6+s2+$0x0], $0xffff  }
0x42: {  	v6 =	vld.idx.msk [tilespmem:v7+s8+$0x0], $0xffff;
	_ =	sdelay $0x1  }
0x43: {  	v7 =	vmov s15;
	s15 =	sadd.s32 $0x1, s15  }
0x44: {  	v7 =	vand.u32 $0xFF, v7  }
0x45: {  	v7 =	vadd.s32 v1, v7;
	_ =	sdelay $0x4  }
0x46: {  	v7 =	vld.idx.msk [tilespmem:v7+s8+$0x0], $0xffff;
	_ =	sdelay $0x5  }
0x47: {  	v6 =	vld.idx.msk [tilespmem:v6+s2+$0x0], $0xffff;
	_ =	sdelay $0x1  }
0x48: {  	s15 =	simm.s32 $0x0;
	v7 =	vld.idx.msk [tilespmem:v7+s2+$0x0], $0xffff  }
0x49: {  	v4 =	vadd.f32 v5, v4;
	v5 =	vmov s15  }
0x4a: {  	v5 =	vand.u32 $0xFF, v5  }
0x4b: {  	v5 =	vadd.s32 v2, v5;
	v4 =	vadd.f32 v6, v4;
	_ =	sdelay $0x1  }
0x4c: {  	v4 =	vadd.f32 v7, v4;
	_ =	sdelay $0x1  }
0x4d: {  	s30 =	simm.s32 $0x1;
	[tilespmem:$0x1D120] =	vst v4  }
0x4e: {  	v4 =	vld.idx.msk [tilespmem:v5+s8+$0x0], $0xffff;
	v5 =	vmov s30  }
0x4f: {  	v5 =	vand.u32 $0xFF, v5  }
0x50: {  	v6 =	vadd.s32 v2, v5;
	_ =	sdelay $0x4  }
0x51: {  	v6 =	vld.idx.msk [tilespmem:v6+s8+$0x0], $0xffff  }
0x52: {  	v5 =	vld.idx.msk [tilespmem:v4+s2+$0x0], $0xffff  }
0x53: {  	s31 =	simm.s32 $0x2  }
0x54: {  	s15 =	simm.s32 $0x3;
	v7 =	vmov s31;
	v4 =	vimm.f32 $0.0e+00  }
.LBB2_6:
0x55: {  	p1 =	sne.s32 s15, $0xC7;
	v7 =	vand.u32 $0xFF, v7  }
0x56: {  	v7 =	vadd.s32 v2, v7  }
0x57: {  	v4 =	vadd.f32 v5, v4;
	_ =	sdelay $0x1  }
.Ltmp2:
0x58: {  	(pc) =	sbr.rel @p1 .LBB2_6-.Ltmp2, $3  }
0x59: {  	v5 =	vld.idx.msk [tilespmem:v6+s2+$0x0], $0xffff  }
0x5a: {  	v6 =	vld.idx.msk [tilespmem:v7+s8+$0x0], $0xffff;
	_ =	sdelay $0x1  }
0x5b: {  	v7 =	vmov s15;
	s15 =	sadd.s32 $0x1, s15  }
0x5c: {  	v7 =	vand.u32 $0xFF, v7  }
0x5d: {  	v7 =	vadd.s32 v2, v7;
	_ =	sdelay $0x4  }
0x5e: {  	v7 =	vld.idx.msk [tilespmem:v7+s8+$0x0], $0xffff;
	_ =	sdelay $0x5  }
0x5f: {  	v6 =	vld.idx.msk [tilespmem:v6+s2+$0x0], $0xffff;
	_ =	sdelay $0x1  }
0x60: {  	s15 =	simm.s32 $0x0;
	v7 =	vld.idx.msk [tilespmem:v7+s2+$0x0], $0xffff  }
0x61: {  	v4 =	vadd.f32 v5, v4;
	v5 =	vmov s15  }
0x62: {  	v5 =	vand.u32 $0xFF, v5  }
0x63: {  	v5 =	vadd.s32 v3, v5;
	v4 =	vadd.f32 v6, v4;
	_ =	sdelay $0x1  }
0x64: {  	v4 =	vadd.f32 v7, v4;
	_ =	sdelay $0x1  }
0x65: {  	s30 =	simm.s32 $0x1;
	[tilespmem:$0x1D130] =	vst v4  }
0x66: {  	v4 =	vld.idx.msk [tilespmem:v5+s8+$0x0], $0xffff;
	v5 =	vmov s30  }
0x67: {  	v5 =	vand.u32 $0xFF, v5  }
0x68: {  	v6 =	vadd.s32 v3, v5;
	_ =	sdelay $0x4  }
0x69: {  	v6 =	vld.idx.msk [tilespmem:v6+s8+$0x0], $0xffff  }
0x6a: {  	v5 =	vld.idx.msk [tilespmem:v4+s2+$0x0], $0xffff  }
0x6b: {  	s31 =	simm.s32 $0x2  }
0x6c: {  	s15 =	simm.s32 $0x3;
	v7 =	vmov s31;
	v4 =	vimm.f32 $0.0e+00  }
.LBB2_8:
0x6d: {  	p1 =	sne.s32 s15, $0xC7;
	v7 =	vand.u32 $0xFF, v7  }
0x6e: {  	v7 =	vadd.s32 v3, v7  }
0x6f: {  	v4 =	vadd.f32 v5, v4;
	_ =	sdelay $0x1  }
.Ltmp3:
0x70: {  	(pc) =	sbr.rel @p1 .LBB2_8-.Ltmp3, $3  }
0x71: {  	v5 =	vld.idx.msk [tilespmem:v6+s2+$0x0], $0xffff  }
0x72: {  	v6 =	vld.idx.msk [tilespmem:v7+s8+$0x0], $0xffff;
	_ =	sdelay $0x1  }
0x73: {  	v7 =	vmov s15;
	s15 =	sadd.s32 $0x1, s15  }
0x74: {  	v7 =	vand.u32 $0xFF, v7  }
0x75: {  	v7 =	vadd.s32 v3, v7;
	_ =	sdelay $0x4  }
0x76: {  	v7 =	vld.idx.msk [tilespmem:v7+s8+$0x0], $0xffff;
	_ =	sdelay $0x5  }
0x77: {  	v6 =	vld.idx.msk [tilespmem:v6+s2+$0x0], $0xffff;
	_ =	sdelay $0x1  }
0x78: {  	v7 =	vld.idx.msk [tilespmem:v7+s2+$0x0], $0xffff  }
0x79: {  	v4 =	vadd.f32 v5, v4;
	_ =	sdelay $0x1  }
0x7a: {  	v4 =	vadd.f32 v6, v4  }
0x7b: {  	s15 =	simm.s32 $0x0  }
0x7c: {  	v5 =	vmov s15;
	v4 =	vadd.f32 v7, v4  }
0x7d: {  	v5 =	vand.u32 $0xFF, v5  }
0x7e: {  	[tilespmem:$0x1D140] =	vst v4;
	v4 =	vadd.s32 v0, v5  }
0x7f: {  	[tilespmem:s8], [sflag:$0x3] =	stream.linear.gather [hbm4b:s5+s15], $0x3200, $0x38;
	[tilespmem:$0x1D190] =	vst v63  }
0x80: {  	_ =	swait.ge [sflag:s12], $0x3200  }
0x81: {  	[sflag:s12] =	ssyncset.done $0x0  }
0x82: {  	s30 =	simm.s32 $0x1;
	[sflag:s12] =	ssyncadd.s32 $0xFFFFCE00  }
0x83: {  	v5 =	vmov s30;
	v4 =	vld.idx.msk [tilespmem:v4+s8+$0x0], $0xffff  }
0x84: {  	v5 =	vand.u32 $0xFF, v5  }
0x85: {  	v6 =	vadd.s32 v0, v5;
	_ =	sdelay $0x4  }
0x86: {  	v6 =	vld.idx.msk [tilespmem:v6+s8+$0x0], $0xffff  }
0x87: {  	v5 =	vld.idx.msk [tilespmem:v4+s2+$0x0], $0xffff  }
0x88: {  	s31 =	simm.s32 $0x2  }
0x89: {  	v7 =	vmov s31;
	s15 =	simm.s32 $0x3;
	v4 =	vimm.f32 $0.0e+00  }
.LBB2_10:
0x8a: {  	p1 =	sne.s32 s15, $0xC7;
	v7 =	vand.u32 $0xFF, v7  }
0x8b: {  	v7 =	vadd.s32 v0, v7  }
0x8c: {  	v4 =	vadd.f32 v5, v4;
	_ =	sdelay $0x1  }
.Ltmp4:
0x8d: {  	(pc) =	sbr.rel @p1 .LBB2_10-.Ltmp4, $3  }
0x8e: {  	v5 =	vld.idx.msk [tilespmem:v6+s2+$0x0], $0xffff  }
0x8f: {  	v6 =	vld.idx.msk [tilespmem:v7+s8+$0x0], $0xffff;
	_ =	sdelay $0x1  }
0x90: {  	v7 =	vmov s15;
	s15 =	sadd.s32 $0x1, s15  }
0x91: {  	v7 =	vand.u32 $0xFF, v7  }
0x92: {  	v7 =	vadd.s32 v0, v7;
	_ =	sdelay $0x4  }
0x93: {  	v7 =	vld.idx.msk [tilespmem:v7+s8+$0x0], $0xffff;
	_ =	sdelay $0x5  }
0x94: {  	v6 =	vld.idx.msk [tilespmem:v6+s2+$0x0], $0xffff;
	_ =	sdelay $0x1  }
0x95: {  	s15 =	simm.s32 $0x0;
	v7 =	vld.idx.msk [tilespmem:v7+s2+$0x0], $0xffff  }
0x96: {  	v4 =	vadd.f32 v5, v4;
	v5 =	vmov s15  }
0x97: {  	v5 =	vand.u32 $0xFF, v5  }
0x98: {  	v5 =	vadd.s32 v1, v5;
	v4 =	vadd.f32 v6, v4;
	_ =	sdelay $0x1  }
0x99: {  	v4 =	vadd.f32 v7, v4;
	_ =	sdelay $0x1  }
0x9a: {  	s30 =	simm.s32 $0x1;
	[tilespmem:$0x1D150] =	vst v4  }
0x9b: {  	v4 =	vld.idx.msk [tilespmem:v5+s8+$0x0], $0xffff;
	v5 =	vmov s30  }
0x9c: {  	v5 =	vand.u32 $0xFF, v5  }
0x9d: {  	v6 =	vadd.s32 v1, v5;
	_ =	sdelay $0x4  }
0x9e: {  	v6 =	vld.idx.msk [tilespmem:v6+s8+$0x0], $0xffff  }
0x9f: {  	v5 =	vld.idx.msk [tilespmem:v4+s2+$0x0], $0xffff  }
0xa0: {  	s31 =	simm.s32 $0x2  }
0xa1: {  	s15 =	simm.s32 $0x3;
	v7 =	vmov s31;
	v4 =	vimm.f32 $0.0e+00  }
.LBB2_12:
0xa2: {  	p1 =	sne.s32 s15, $0xC7;
	v7 =	vand.u32 $0xFF, v7  }
0xa3: {  	v7 =	vadd.s32 v1, v7  }
0xa4: {  	v4 =	vadd.f32 v5, v4;
	_ =	sdelay $0x1  }
.Ltmp5:
0xa5: {  	(pc) =	sbr.rel @p1 .LBB2_12-.Ltmp5, $3  }
0xa6: {  	v5 =	vld.idx.msk [tilespmem:v6+s2+$0x0], $0xffff  }
0xa7: {  	v6 =	vld.idx.msk [tilespmem:v7+s8+$0x0], $0xffff;
	_ =	sdelay $0x1  }
0xa8: {  	v7 =	vmov s15;
	s15 =	sadd.s32 $0x1, s15  }
0xa9: {  	v7 =	vand.u32 $0xFF, v7  }
0xaa: {  	v7 =	vadd.s32 v1, v7;
	_ =	sdelay $0x4  }
0xab: {  	v7 =	vld.idx.msk [tilespmem:v7+s8+$0x0], $0xffff;
	_ =	sdelay $0x5  }
0xac: {  	v6 =	vld.idx.msk [tilespmem:v6+s2+$0x0], $0xffff;
	_ =	sdelay $0x1  }
0xad: {  	s15 =	simm.s32 $0x0;
	v7 =	vld.idx.msk [tilespmem:v7+s2+$0x0], $0xffff  }
0xae: {  	v4 =	vadd.f32 v5, v4;
	v5 =	vmov s15  }
0xaf: {  	v5 =	vand.u32 $0xFF, v5  }
0xb0: {  	v5 =	vadd.s32 v2, v5;
	v4 =	vadd.f32 v6, v4;
	_ =	sdelay $0x1  }
0xb1: {  	v4 =	vadd.f32 v7, v4;
	_ =	sdelay $0x1  }
0xb2: {  	s30 =	simm.s32 $0x1;
	[tilespmem:$0x1D160] =	vst v4  }
0xb3: {  	v4 =	vld.idx.msk [tilespmem:v5+s8+$0x0], $0xffff;
	v5 =	vmov s30  }
0xb4: {  	v5 =	vand.u32 $0xFF, v5  }
0xb5: {  	v6 =	vadd.s32 v2, v5;
	_ =	sdelay $0x4  }
0xb6: {  	v6 =	vld.idx.msk [tilespmem:v6+s8+$0x0], $0xffff  }
0xb7: {  	v5 =	vld.idx.msk [tilespmem:v4+s2+$0x0], $0xffff  }
0xb8: {  	s31 =	simm.s32 $0x2  }
0xb9: {  	s15 =	simm.s32 $0x3;
	v7 =	vmov s31;
	v4 =	vimm.f32 $0.0e+00  }
.LBB2_14:
0xba: {  	p1 =	sne.s32 s15, $0xC7;
	v7 =	vand.u32 $0xFF, v7  }
0xbb: {  	v7 =	vadd.s32 v2, v7  }
0xbc: {  	v4 =	vadd.f32 v5, v4;
	_ =	sdelay $0x1  }
.Ltmp6:
0xbd: {  	(pc) =	sbr.rel @p1 .LBB2_14-.Ltmp6, $3  }
0xbe: {  	v5 =	vld.idx.msk [tilespmem:v6+s2+$0x0], $0xffff  }
0xbf: {  	v6 =	vld.idx.msk [tilespmem:v7+s8+$0x0], $0xffff;
	_ =	sdelay $0x1  }
0xc0: {  	v7 =	vmov s15;
	s15 =	sadd.s32 $0x1, s15  }
0xc1: {  	v7 =	vand.u32 $0xFF, v7  }
0xc2: {  	v7 =	vadd.s32 v2, v7;
	_ =	sdelay $0x4  }
0xc3: {  	v7 =	vld.idx.msk [tilespmem:v7+s8+$0x0], $0xffff;
	_ =	sdelay $0x5  }
0xc4: {  	v6 =	vld.idx.msk [tilespmem:v6+s2+$0x0], $0xffff;
	_ =	sdelay $0x1  }
0xc5: {  	s15 =	simm.s32 $0x0;
	v7 =	vld.idx.msk [tilespmem:v7+s2+$0x0], $0xffff  }
0xc6: {  	v4 =	vadd.f32 v5, v4;
	v5 =	vmov s15  }
0xc7: {  	v5 =	vand.u32 $0xFF, v5  }
0xc8: {  	v5 =	vadd.s32 v3, v5;
	v4 =	vadd.f32 v6, v4;
	_ =	sdelay $0x1  }
0xc9: {  	v4 =	vadd.f32 v7, v4;
	_ =	sdelay $0x1  }
0xca: {  	s30 =	simm.s32 $0x1;
	[tilespmem:$0x1D170] =	vst v4  }
0xcb: {  	v4 =	vld.idx.msk [tilespmem:v5+s8+$0x0], $0xffff;
	v5 =	vmov s30  }
0xcc: {  	v5 =	vand.u32 $0xFF, v5  }
0xcd: {  	v6 =	vadd.s32 v3, v5;
	_ =	sdelay $0x4  }
0xce: {  	v6 =	vld.idx.msk [tilespmem:v6+s8+$0x0], $0xffff  }
0xcf: {  	v5 =	vld.idx.msk [tilespmem:v4+s2+$0x0], $0xffff  }
0xd0: {  	s31 =	simm.s32 $0x2  }
0xd1: {  	s15 =	simm.s32 $0x3;
	v7 =	vmov s31;
	v4 =	vimm.f32 $0.0e+00  }
.LBB2_16:
0xd2: {  	p1 =	sne.s32 s15, $0xC7;
	v7 =	vand.u32 $0xFF, v7  }
0xd3: {  	v7 =	vadd.s32 v3, v7  }
0xd4: {  	v4 =	vadd.f32 v5, v4;
	_ =	sdelay $0x1  }
.Ltmp7:
0xd5: {  	(pc) =	sbr.rel @p1 .LBB2_16-.Ltmp7, $3  }
0xd6: {  	v5 =	vld.idx.msk [tilespmem:v6+s2+$0x0], $0xffff  }
0xd7: {  	v6 =	vld.idx.msk [tilespmem:v7+s8+$0x0], $0xffff;
	_ =	sdelay $0x1  }
0xd8: {  	v7 =	vmov s15;
	s15 =	sadd.s32 $0x1, s15  }
0xd9: {  	v7 =	vand.u32 $0xFF, v7  }
0xda: {  	v7 =	vadd.s32 v3, v7;
	_ =	sdelay $0x4  }
0xdb: {  	v7 =	vld.idx.msk [tilespmem:v7+s8+$0x0], $0xffff;
	_ =	sdelay $0x5  }
0xdc: {  	v6 =	vld.idx.msk [tilespmem:v6+s2+$0x0], $0xffff;
	_ =	sdelay $0x1  }
0xdd: {  	v7 =	vld.idx.msk [tilespmem:v7+s2+$0x0], $0xffff  }
0xde: {  	v4 =	vadd.f32 v5, v4;
	_ =	sdelay $0x1  }
0xdf: {  	v4 =	vadd.f32 v6, v4;
	_ =	sdelay $0x1  }
0xe0: {  	s14 =	sadd.s32 $0x1, s14;
	v4 =	vadd.f32 v7, v4  }
0xe1: {  	p1 =	sne.s32 s14, s7  }
.Ltmp8:
0xe2: {  	[tilespmem:$0x1D180] =	vst v4;
	(pc) =	sbr.rel @p1 .LBB2_1-.Ltmp8, $4  }
0xe3: {  	[hbm4b:s6+s2] =	stream.linear.scatter [tilespmem:s13], [sflag:$0x3], $0x80, $0x38;
	[tilespmem:$0x1D190] =	vst v63  }
0xe4: {  	_ =	swait.ge [sflag:s12], $0x80  }
0xe5: {  	[sflag:s12] =	ssyncset.done $0x0  }
0xe6: {  	[sflag:s12] =	ssyncadd.s32 $0xFFFFFF80  }
0xe7: {  	_ =	sfence.sel $0x180000  }
0xe8: {  	[bflag:$0x0] =	sbarrier.arrive $0xFFFF  }
0xe9: {  	_ =	strace $0x90000047  }
0xea: {  	s0 =	sadd.s32 @!p0 $0x100000, s0;
	[bflag:$0x2] =	sbarrier.arrive $0xFFFF  }
0xeb: {  	[sflag:s0] =	ssyncadd.tile.s32 @!p0 $0x1;
	_ =	shalt  }
.Lfunc_end2:
_tile_overlayer_lowered:
.L_overlay_start_2:
0xec: {  	(tag) =	ssettag $0x2  }
0xed: {  	s0 =	rddreg [dreg:$0x0];
	s2 =	stileid.u32  }
0xee: {  	s1 =	rddreg [dreg:$0x1];
	p0 =	sne.s32 s2, $0x0  }
0xef: {  	s3 =	rddreg [dreg:$0x2];
	[bflag:$0x3] =	sbarrier.arrive $0xFFFF;
	s2 =	simm.s32 @!p0 $0x1C03  }
0xf0: {  	[timem:s3], [sflag:s2] =	dma.local @!p0 [hbm:s0], s1  }
0xf1: {  	s0 =	simm.s32 @!p0 $0x3  }
0xf2: {  	_ =	swait.ge @!p0 [sflag:s0], s1  }
0xf3: {  	s1 =	ssub.s32 @!p0 $0x0, s1;
	[sflag:s0] =	ssyncset.done @!p0 $0x0  }
0xf4: {  	[sflag:s0] =	ssyncadd.s32 @!p0 s1  }
0xf5: {  	[bflag:$0x3] =	sbarrier.arrive $0xFFFF  }
0xf6: {  	_ =	shalt  }

</sc_bundles>
